<compile_context>
chip_gen: v7x
topology: tpu7x:2x2x1
jax: 0.10.2.dev20260603
libtpu: 0.0.44.dev20260713+nightly
codegen_flags: <defaults>
</compile_context>

<pallas_src>
import jax
import jax.numpy as jnp
from jax.experimental import pallas as pl

N_NODES = 325
IN_DIM = 2
UNITS = 64
BATCH = 1024
BT = 16
GRID = BATCH // BT


def _nmix(x, ST):
    b, c, n = x.shape
    y = jax.lax.dot_general(x.reshape(b * c, n), ST, (((1,), (0,)), ((), ())),
                            preferred_element_type=jnp.float32)
    return y.reshape(b, c, n)


def _cmix(w, x):
    return jax.lax.dot_general(w, x, (((1,), (1,)), ((0,), (0,))),
                               preferred_element_type=jnp.float32)


def _dcgru_kernel(xi_ref, h_ref, ST_ref,
                  vh_ru_ref, vx_ru_ref, bru_ref,
                  vh_c_ref, vx_c_ref, bc_ref,
                  out_ref):
    bf = jnp.bfloat16
    ST = ST_ref[...]
    hb = h_ref[...]
    xib = xi_ref[...]

    def bcast(ref, m):
        return jnp.broadcast_to(ref[m][None], (BT,) + ref.shape[1:])

    xi1 = _nmix(xib, ST)
    xi2 = _nmix(xi1.astype(bf), ST)
    xis = (xib, xi1.astype(bf), xi2.astype(bf))

    def gconv(st_b, vh_ref, vx_ref, b_ref):
        s1 = _nmix(st_b, ST)
        s2 = _nmix(s1.astype(bf), ST)
        acc = (_cmix(bcast(vh_ref, 0), st_b)
               + _cmix(bcast(vh_ref, 1), s1.astype(bf))
               + _cmix(bcast(vh_ref, 2), s2.astype(bf))
               + _cmix(bcast(vx_ref, 0), xis[0])
               + _cmix(bcast(vx_ref, 1), xis[1])
               + _cmix(bcast(vx_ref, 2), xis[2]))
        return acc + b_ref[...]

    ru = jax.nn.sigmoid(gconv(hb, vh_ru_ref, vx_ru_ref, bru_ref))
    r = ru[:, :UNITS, :]
    u = ru[:, UNITS:, :]

    st = (r * hb).astype(bf)
    c = jnp.tanh(gconv(st, vh_c_ref, vx_c_ref, bc_ref))

    out_ref[...] = u * hb + (1.0 - u) * c


def _fold_weights(W, out_dim):
    Wm = W.reshape(IN_DIM + UNITS, 3, out_dim)
    V0 = Wm[:, 0, :] - Wm[:, 2, :]
    V1 = Wm[:, 1, :]
    V2 = 2.0 * Wm[:, 2, :]
    V = jnp.stack([V0, V1, V2])
    return V[:, IN_DIM:, :], V[:, :IN_DIM, :]


@jax.jit
def kernel(inputs, hidden_state, support, W_ru, b_ru, W_c, b_c):
    B, N, U, bf = BATCH, N_NODES, UNITS, jnp.bfloat16
    xiT = inputs.reshape(B, N, IN_DIM).transpose(0, 2, 1).astype(bf)
    hT = hidden_state[0].reshape(B, N, U).transpose(0, 2, 1).astype(bf)

    vh_ru, vx_ru = _fold_weights(W_ru, 2 * U)
    vh_c, vx_c = _fold_weights(W_c, U)
    bru = b_ru.reshape(1, 2 * U, 1)
    bc = b_c.reshape(1, U, 1)
    ST = support.T.astype(bf)

    full = lambda a: pl.BlockSpec(a.shape, lambda i: (0,) * a.ndim)
    bspec = lambda c: pl.BlockSpec((BT, c, N), lambda i: (i, 0, 0))

    y = pl.pallas_call(
        _dcgru_kernel,
        grid=(GRID,),
        in_specs=[
            bspec(IN_DIM), bspec(U),
            full(ST), full(vh_ru.astype(bf)), full(vx_ru.astype(bf)),
            full(bru), full(vh_c.astype(bf)), full(vx_c.astype(bf)),
            full(bc),
        ],
        out_specs=bspec(U),
        out_shape=jax.ShapeDtypeStruct((B, U, N), jnp.float32),
    )(xiT, hT, ST, vh_ru.astype(bf), vx_ru.astype(bf), bru,
      vh_c.astype(bf), vx_c.astype(bf), bc)

    output = y.transpose(0, 2, 1).reshape(B, N * U)
    return (output, output[None])

# --- scband reference (transcript-rebuilt; emitter-appended) ---
"""Pipeline reference for scband-encoder-model-80848464379938 (READ-ONLY COPY).

The authoritative reference and input builder live on the scoring server;
editing this copy changes nothing except your own understanding.
"""

import jax, jax.numpy as jnp
import numpy as np

NUM_NODES = 325
INPUT_DIM = 2
RNN_UNITS = 64
BATCH = 1024
MAX_DIFFUSION_STEP = 2


def _scaled_laplacian(adj):
    A = np.maximum(adj, adj.T)
    d = A.sum(axis=1)
    d_inv_sqrt = np.power(d, -0.5)
    d_inv_sqrt[np.isinf(d_inv_sqrt)] = 0.0
    n = A.shape[0]
    L = np.eye(n) - (d_inv_sqrt[:, None] * A) * d_inv_sqrt[None, :]
    lambda_max = np.linalg.eigvalsh(L).max()
    L_scaled = (2.0 / lambda_max) * L - np.eye(n)
    return L_scaled.astype(np.float32)


def setup_inputs(seed: int = 0) -> dict:
    key = jax.random.key(seed)
    k1, k2, k3 = jax.random.split(key, 3)
    rng = np.random.RandomState(0)
    adj = rng.rand(NUM_NODES, NUM_NODES).astype(np.float32)
    adj = adj * (adj < 0.1)  # sparse-ish road-network adjacency
    support = jnp.asarray(_scaled_laplacian(adj))
    input_size = INPUT_DIM + RNN_UNITS
    num_matrices = MAX_DIFFUSION_STEP + 1  # one support (laplacian)
    W_ru = 0.1 * jax.random.normal(k1, (input_size * num_matrices, 2 * RNN_UNITS), dtype=jnp.float32)
    b_ru = jnp.ones((2 * RNN_UNITS,), dtype=jnp.float32)  # bias_start=1.0
    W_c = 0.1 * jax.random.normal(k2, (input_size * num_matrices, RNN_UNITS), dtype=jnp.float32)
    b_c = jnp.zeros((RNN_UNITS,), dtype=jnp.float32)
    inputs = jax.random.normal(k3, (BATCH, NUM_NODES * INPUT_DIM), dtype=jnp.float32)
    hidden_state = jnp.zeros((1, BATCH, NUM_NODES * RNN_UNITS), dtype=jnp.float32)
    return {"inputs": inputs, "hidden_state": hidden_state, "support": support,
            "W_ru": W_ru, "b_ru": b_ru, "W_c": W_c, "b_c": b_c}


def _gconv(x_in, state, support, W, b, output_size):
    batch = x_in.shape[0]
    xi = x_in.reshape(batch, NUM_NODES, -1)
    st = state.reshape(batch, NUM_NODES, -1)
    x0c = jnp.concatenate([xi, st], axis=2)  # [B, N, input_size]
    input_size = x0c.shape[2]
    x0 = jnp.transpose(x0c, (1, 2, 0)).reshape(NUM_NODES, -1)  # [N, input_size*B]
    xs = [x0]
    x1 = support @ x0
    xs.append(x1)
    for _ in range(2, MAX_DIFFUSION_STEP + 1):
        x2 = 2.0 * (support @ x1) - x0
        xs.append(x2)
        x0, x1 = x1, x2
    num_matrices = len(xs)
    x = jnp.stack(xs, axis=0).reshape(num_matrices, NUM_NODES, input_size, batch)
    x = jnp.transpose(x, (3, 1, 2, 0)).reshape(batch * NUM_NODES, input_size * num_matrices)
    x = x @ W + b
    return x.reshape(batch, NUM_NODES * output_size)


def _dcgru_cell(inputs, hx, support, W_ru, b_ru, W_c, b_c):
    value = jax.nn.sigmoid(_gconv(inputs, hx, support, W_ru, b_ru, 2 * RNN_UNITS))
    value = value.reshape(-1, NUM_NODES, 2 * RNN_UNITS)
    r = value[:, :, :RNN_UNITS].reshape(-1, NUM_NODES * RNN_UNITS)
    u = value[:, :, RNN_UNITS:].reshape(-1, NUM_NODES * RNN_UNITS)
    c = jnp.tanh(_gconv(inputs, r * hx, support, W_c, b_c, RNN_UNITS))
    return u * hx + (1.0 - u) * c


def reference(inputs, hidden_state, support, W_ru, b_ru, W_c, b_c):
    hidden_states = []
    output = inputs
    for layer_num in range(1):  # num_rnn_layers = 1
        next_hidden_state = _dcgru_cell(output, hidden_state[layer_num], support, W_ru, b_ru, W_c, b_c)
        hidden_states.append(next_hidden_state)
        output = next_hidden_state
    return (output, jnp.stack(hidden_states))

if __name__ == "__main__":
    import jax
    _d = setup_inputs()
    print(jax.jit(kernel)(*tuple(_d.values())))

</pallas_src>

<mosaic_0001>
module attributes {stable_mosaic.version = 14 : i64} {
  func.func @_dcgru_kernel(%arg0: i32, %arg1: memref<16x2x325xbf16, #tpu.memory_space<vmem>>, %arg2: memref<16x64x325xbf16, #tpu.memory_space<vmem>>, %arg3: memref<325x325xbf16, #tpu.memory_space<vmem>>, %arg4: memref<3x64x128xbf16, #tpu.memory_space<vmem>>, %arg5: memref<3x2x128xbf16, #tpu.memory_space<vmem>>, %arg6: memref<1x128x1xf32, #tpu.memory_space<vmem>>, %arg7: memref<3x64x64xbf16, #tpu.memory_space<vmem>>, %arg8: memref<3x2x64xbf16, #tpu.memory_space<vmem>>, %arg9: memref<1x64x1xf32, #tpu.memory_space<vmem>>, %arg10: memref<16x64x325xf32, #tpu.memory_space<vmem>>) attributes {dimension_semantics = [#tpu.dimension_semantics<arbitrary>], iteration_bounds = array<i64: 64>, scalar_prefetch = 0 : i64, scratch_operands = 0 : i64, tpu.core_type = #tpu.core_type<tc>, window_params = [{transform_indices = @transform_0, window_bounds = array<i64: 16, 2, 325>}, {transform_indices = @transform_1, window_bounds = array<i64: 16, 64, 325>}, {pipeline_mode = #tpu.pipeline_mode<synchronous>, transform_indices = @transform_2, window_bounds = array<i64: 325, 325>}, {pipeline_mode = #tpu.pipeline_mode<synchronous>, transform_indices = @transform_3, window_bounds = array<i64: 3, 64, 128>}, {pipeline_mode = #tpu.pipeline_mode<synchronous>, transform_indices = @transform_4, window_bounds = array<i64: 3, 2, 128>}, {pipeline_mode = #tpu.pipeline_mode<synchronous>, transform_indices = @transform_5, window_bounds = array<i64: 1, 128, 1>}, {pipeline_mode = #tpu.pipeline_mode<synchronous>, transform_indices = @transform_6, window_bounds = array<i64: 3, 64, 64>}, {pipeline_mode = #tpu.pipeline_mode<synchronous>, transform_indices = @transform_7, window_bounds = array<i64: 3, 2, 64>}, {pipeline_mode = #tpu.pipeline_mode<synchronous>, transform_indices = @transform_8, window_bounds = array<i64: 1, 64, 1>}, {transform_indices = @transform_9, window_bounds = array<i64: 16, 64, 325>}]} {
    %get3A = arith.constant 0 : index
    %get3A_0 = arith.constant 0 : index
    %get3A_1 = vector.load %arg3[%get3A, %get3A_0] : memref<325x325xbf16, #tpu.memory_space<vmem>>, vector<325x325xbf16>
    %get3A_2 = arith.constant 0 : index
    %get3A_3 = arith.constant 0 : index
    %get3A_4 = arith.constant 0 : index
    %get3A_5 = vector.load %arg2[%get3A_2, %get3A_3, %get3A_4] : memref<16x64x325xbf16, #tpu.memory_space<vmem>>, vector<16x64x325xbf16>
    %get3A_6 = arith.constant 0 : index
    %get3A_7 = arith.constant 0 : index
    %get3A_8 = arith.constant 0 : index
    %get3A_9 = vector.load %arg1[%get3A_6, %get3A_7, %get3A_8] : memref<16x2x325xbf16, #tpu.memory_space<vmem>>, vector<16x2x325xbf16>
    %reshape3A = vector.shape_cast %get3A_9 : vector<16x2x325xbf16> to vector<32x325xbf16>
    %dot_general3A = arith.constant dense<0.000000e+00> : vector<32x325xf32>
    %dot_general3A_10 = tpu.matmul %reshape3A, %get3A_1, %dot_general3A {dimension_numbers = #tpu.dot_dimension_numbers<[1], [0], [0], [1], [0, 0, 1, 1], [], []>, transpose_lhs_hint = false} : vector<32x325xbf16>, vector<325x325xbf16>, vector<32x325xf32> -> vector<32x325xf32>
    %reshape3A_11 = vector.shape_cast %dot_general3A_10 : vector<32x325xf32> to vector<16x2x325xf32>
    %convert_element_type3A = arith.truncf %reshape3A_11 : vector<16x2x325xf32> to vector<16x2x325xbf16>
    %reshape3A_12 = vector.shape_cast %convert_element_type3A : vector<16x2x325xbf16> to vector<32x325xbf16>
    %dot_general3A_13 = arith.constant dense<0.000000e+00> : vector<32x325xf32>
    %dot_general3A_14 = tpu.matmul %reshape3A_12, %get3A_1, %dot_general3A_13 {dimension_numbers = #tpu.dot_dimension_numbers<[1], [0], [0], [1], [0, 0, 1, 1], [], []>, transpose_lhs_hint = false} : vector<32x325xbf16>, vector<325x325xbf16>, vector<32x325xf32> -> vector<32x325xf32>
    %reshape3A_15 = vector.shape_cast %dot_general3A_14 : vector<32x325xf32> to vector<16x2x325xf32>
    %convert_element_type3A_16 = arith.truncf %reshape3A_11 : vector<16x2x325xf32> to vector<16x2x325xbf16>
    %convert_element_type3A_17 = arith.truncf %reshape3A_15 : vector<16x2x325xf32> to vector<16x2x325xbf16>
    %reshape3A_18 = vector.shape_cast %get3A_5 : vector<16x64x325xbf16> to vector<1024x325xbf16>
    %dot_general3A_19 = arith.constant dense<0.000000e+00> : vector<1024x325xf32>
    %dot_general3A_20 = tpu.matmul %reshape3A_18, %get3A_1, %dot_general3A_19 {dimension_numbers = #tpu.dot_dimension_numbers<[1], [0], [0], [1], [0, 0, 1, 1], [], []>, transpose_lhs_hint = false} : vector<1024x325xbf16>, vector<325x325xbf16>, vector<1024x325xf32> -> vector<1024x325xf32>
    %reshape3A_21 = vector.shape_cast %dot_general3A_20 : vector<1024x325xf32> to vector<16x64x325xf32>
    %convert_element_type3A_22 = arith.truncf %reshape3A_21 : vector<16x64x325xf32> to vector<16x64x325xbf16>
    %reshape3A_23 = vector.shape_cast %convert_element_type3A_22 : vector<16x64x325xbf16> to vector<1024x325xbf16>
    %dot_general3A_24 = arith.constant dense<0.000000e+00> : vector<1024x325xf32>
    %dot_general3A_25 = tpu.matmul %reshape3A_23, %get3A_1, %dot_general3A_24 {dimension_numbers = #tpu.dot_dimension_numbers<[1], [0], [0], [1], [0, 0, 1, 1], [], []>, transpose_lhs_hint = false} : vector<1024x325xbf16>, vector<325x325xbf16>, vector<1024x325xf32> -> vector<1024x325xf32>
    %reshape3A_26 = vector.shape_cast %dot_general3A_25 : vector<1024x325xf32> to vector<16x64x325xf32>
    %get3A_27 = arith.constant 0 : index
    %get3A_28 = arith.constant 0 : index
    %get3A_29 = arith.constant 0 : index
    %get3A_30 = vector.load %arg4[%get3A_27, %get3A_28, %get3A_29] : memref<3x64x128xbf16, #tpu.memory_space<vmem>>, vector<1x64x128xbf16>
    %get3A_31 = vector.shape_cast %get3A_30 : vector<1x64x128xbf16> to vector<64x128xbf16>
    %broadcast_in_dim3A = vector.shape_cast %get3A_31 : vector<64x128xbf16> to vector<1x64x128xbf16>
    %broadcast_in_dim3A_32 = vector.shape_cast %broadcast_in_dim3A : vector<1x64x128xbf16> to vector<1x64x128xbf16>
    %broadcast_in_dim3A_33 = vector.broadcast %broadcast_in_dim3A_32 : vector<1x64x128xbf16> to vector<16x64x128xbf16>
    %dot_general3A_34 = arith.constant dense<0.000000e+00> : vector<16x128x325xf32>
    %dot_general3A_35 = tpu.matmul %broadcast_in_dim3A_33, %get3A_5, %dot_general3A_34 {dimension_numbers = #tpu.dot_dimension_numbers<[1], [1], [2], [2], [0, 0, 0, 2, 1, 2], [0], [0]>, transpose_lhs_hint = false} : vector<16x64x128xbf16>, vector<16x64x325xbf16>, vector<16x128x325xf32> -> vector<16x128x325xf32>
    %get3A_36 = arith.constant 1 : index
    %get3A_37 = arith.constant 0 : index
    %get3A_38 = arith.constant 0 : index
    %get3A_39 = vector.load %arg4[%get3A_36, %get3A_37, %get3A_38] : memref<3x64x128xbf16, #tpu.memory_space<vmem>>, vector<1x64x128xbf16>
    %get3A_40 = vector.shape_cast %get3A_39 : vector<1x64x128xbf16> to vector<64x128xbf16>
    %broadcast_in_dim3A_41 = vector.shape_cast %get3A_40 : vector<64x128xbf16> to vector<1x64x128xbf16>
    %broadcast_in_dim3A_42 = vector.shape_cast %broadcast_in_dim3A_41 : vector<1x64x128xbf16> to vector<1x64x128xbf16>
    %broadcast_in_dim3A_43 = vector.broadcast %broadcast_in_dim3A_42 : vector<1x64x128xbf16> to vector<16x64x128xbf16>
    %convert_element_type3A_44 = arith.truncf %reshape3A_21 : vector<16x64x325xf32> to vector<16x64x325xbf16>
    %dot_general3A_45 = arith.constant dense<0.000000e+00> : vector<16x128x325xf32>
    %dot_general3A_46 = tpu.matmul %broadcast_in_dim3A_43, %convert_element_type3A_44, %dot_general3A_45 {dimension_numbers = #tpu.dot_dimension_numbers<[1], [1], [2], [2], [0, 0, 0, 2, 1, 2], [0], [0]>, transpose_lhs_hint = false} : vector<16x64x128xbf16>, vector<16x64x325xbf16>, vector<16x128x325xf32> -> vector<16x128x325xf32>
    %add3A = arith.addf %dot_general3A_35, %dot_general3A_46 : vector<16x128x325xf32>
    %get3A_47 = arith.constant 2 : index
    %get3A_48 = arith.constant 0 : index
    %get3A_49 = arith.constant 0 : index
    %get3A_50 = vector.load %arg4[%get3A_47, %get3A_48, %get3A_49] : memref<3x64x128xbf16, #tpu.memory_space<vmem>>, vector<1x64x128xbf16>
    %get3A_51 = vector.shape_cast %get3A_50 : vector<1x64x128xbf16> to vector<64x128xbf16>
    %broadcast_in_dim3A_52 = vector.shape_cast %get3A_51 : vector<64x128xbf16> to vector<1x64x128xbf16>
    %broadcast_in_dim3A_53 = vector.shape_cast %broadcast_in_dim3A_52 : vector<1x64x128xbf16> to vector<1x64x128xbf16>
    %broadcast_in_dim3A_54 = vector.broadcast %broadcast_in_dim3A_53 : vector<1x64x128xbf16> to vector<16x64x128xbf16>
    %convert_element_type3A_55 = arith.truncf %reshape3A_26 : vector<16x64x325xf32> to vector<16x64x325xbf16>
    %dot_general3A_56 = arith.constant dense<0.000000e+00> : vector<16x128x325xf32>
    %dot_general3A_57 = tpu.matmul %broadcast_in_dim3A_54, %convert_element_type3A_55, %dot_general3A_56 {dimension_numbers = #tpu.dot_dimension_numbers<[1], [1], [2], [2], [0, 0, 0, 2, 1, 2], [0], [0]>, transpose_lhs_hint = false} : vector<16x64x128xbf16>, vector<16x64x325xbf16>, vector<16x128x325xf32> -> vector<16x128x325xf32>
    %add3A_58 = arith.addf %add3A, %dot_general3A_57 : vector<16x128x325xf32>
    %get3A_59 = arith.constant 0 : index
    %get3A_60 = arith.constant 0 : index
    %get3A_61 = arith.constant 0 : index
    %get3A_62 = vector.load %arg5[%get3A_59, %get3A_60, %get3A_61] : memref<3x2x128xbf16, #tpu.memory_space<vmem>>, vector<1x2x128xbf16>
    %get3A_63 = vector.shape_cast %get3A_62 : vector<1x2x128xbf16> to vector<2x128xbf16>
    %broadcast_in_dim3A_64 = vector.shape_cast %get3A_63 : vector<2x128xbf16> to vector<1x2x128xbf16>
    %broadcast_in_dim3A_65 = vector.shape_cast %broadcast_in_dim3A_64 : vector<1x2x128xbf16> to vector<1x2x128xbf16>
    %broadcast_in_dim3A_66 = vector.broadcast %broadcast_in_dim3A_65 : vector<1x2x128xbf16> to vector<16x2x128xbf16>
    %dot_general3A_67 = arith.constant dense<0.000000e+00> : vector<16x128x325xf32>
    %dot_general3A_68 = tpu.matmul %broadcast_in_dim3A_66, %get3A_9, %dot_general3A_67 {dimension_numbers = #tpu.dot_dimension_numbers<[1], [1], [2], [2], [0, 0, 0, 2, 1, 2], [0], [0]>, transpose_lhs_hint = false} : vector<16x2x128xbf16>, vector<16x2x325xbf16>, vector<16x128x325xf32> -> vector<16x128x325xf32>
    %add3A_69 = arith.addf %add3A_58, %dot_general3A_68 : vector<16x128x325xf32>
    %get3A_70 = arith.constant 1 : index
    %get3A_71 = arith.constant 0 : index
    %get3A_72 = arith.constant 0 : index
    %get3A_73 = vector.load %arg5[%get3A_70, %get3A_71, %get3A_72] : memref<3x2x128xbf16, #tpu.memory_space<vmem>>, vector<1x2x128xbf16>
    %get3A_74 = vector.shape_cast %get3A_73 : vector<1x2x128xbf16> to vector<2x128xbf16>
    %broadcast_in_dim3A_75 = vector.shape_cast %get3A_74 : vector<2x128xbf16> to vector<1x2x128xbf16>
    %broadcast_in_dim3A_76 = vector.shape_cast %broadcast_in_dim3A_75 : vector<1x2x128xbf16> to vector<1x2x128xbf16>
    %broadcast_in_dim3A_77 = vector.broadcast %broadcast_in_dim3A_76 : vector<1x2x128xbf16> to vector<16x2x128xbf16>
    %dot_general3A_78 = arith.constant dense<0.000000e+00> : vector<16x128x325xf32>
    %dot_general3A_79 = tpu.matmul %broadcast_in_dim3A_77, %convert_element_type3A_16, %dot_general3A_78 {dimension_numbers = #tpu.dot_dimension_numbers<[1], [1], [2], [2], [0, 0, 0, 2, 1, 2], [0], [0]>, transpose_lhs_hint = false} : vector<16x2x128xbf16>, vector<16x2x325xbf16>, vector<16x128x325xf32> -> vector<16x128x325xf32>
    %add3A_80 = arith.addf %add3A_69, %dot_general3A_79 : vector<16x128x325xf32>
    %get3A_81 = arith.constant 2 : index
    %get3A_82 = arith.constant 0 : index
    %get3A_83 = arith.constant 0 : index
    %get3A_84 = vector.load %arg5[%get3A_81, %get3A_82, %get3A_83] : memref<3x2x128xbf16, #tpu.memory_space<vmem>>, vector<1x2x128xbf16>
    %get3A_85 = vector.shape_cast %get3A_84 : vector<1x2x128xbf16> to vector<2x128xbf16>
    %broadcast_in_dim3A_86 = vector.shape_cast %get3A_85 : vector<2x128xbf16> to vector<1x2x128xbf16>
    %broadcast_in_dim3A_87 = vector.shape_cast %broadcast_in_dim3A_86 : vector<1x2x128xbf16> to vector<1x2x128xbf16>
    %broadcast_in_dim3A_88 = vector.broadcast %broadcast_in_dim3A_87 : vector<1x2x128xbf16> to vector<16x2x128xbf16>
    %dot_general3A_89 = arith.constant dense<0.000000e+00> : vector<16x128x325xf32>
    %dot_general3A_90 = tpu.matmul %broadcast_in_dim3A_88, %convert_element_type3A_17, %dot_general3A_89 {dimension_numbers = #tpu.dot_dimension_numbers<[1], [1], [2], [2], [0, 0, 0, 2, 1, 2], [0], [0]>, transpose_lhs_hint = false} : vector<16x2x128xbf16>, vector<16x2x325xbf16>, vector<16x128x325xf32> -> vector<16x128x325xf32>
    %add3A_91 = arith.addf %add3A_80, %dot_general3A_90 : vector<16x128x325xf32>
    %get3A_92 = arith.constant 0 : index
    %get3A_93 = arith.constant 0 : index
    %get3A_94 = arith.constant 0 : index
    %get3A_95 = vector.load %arg6[%get3A_92, %get3A_93, %get3A_94] : memref<1x128x1xf32, #tpu.memory_space<vmem>>, vector<1x128x1xf32>
    %add3A_96 = vector.broadcast %get3A_95 : vector<1x128x1xf32> to vector<16x128x325xf32>
    %add3A_97 = arith.addf %add3A_91, %add3A_96 : vector<16x128x325xf32>
    %logistic3A = arith.negf %add3A_97 : vector<16x128x325xf32>
    %logistic3A_98 = math.exp %logistic3A : vector<16x128x325xf32>
    %logistic3A_99 = arith.constant 1.000000e+00 : f32
    %logistic3A_100 = vector.broadcast %logistic3A_99 : f32 to vector<16x128x325xf32>
    %logistic3A_101 = arith.addf %logistic3A_100, %logistic3A_98 : vector<16x128x325xf32>
    %logistic3A_102 = arith.divf %logistic3A_100, %logistic3A_101 : vector<16x128x325xf32>
    %slice3A = vector.extract_strided_slice %logistic3A_102 {offsets = [0, 0, 0], sizes = [16, 64, 325], strides = [1, 1, 1]} : vector<16x128x325xf32> to vector<16x64x325xf32>
    %slice3A_103 = vector.extract_strided_slice %logistic3A_102 {offsets = [0, 64, 0], sizes = [16, 64, 325], strides = [1, 1, 1]} : vector<16x128x325xf32> to vector<16x64x325xf32>
    %convert_element_type3A_104 = arith.extf %get3A_5 : vector<16x64x325xbf16> to vector<16x64x325xf32>
    %mul3A = arith.mulf %slice3A, %convert_element_type3A_104 : vector<16x64x325xf32>
    %convert_element_type3A_105 = arith.truncf %mul3A : vector<16x64x325xf32> to vector<16x64x325xbf16>
    %reshape3A_106 = vector.shape_cast %convert_element_type3A_105 : vector<16x64x325xbf16> to vector<1024x325xbf16>
    %dot_general3A_107 = arith.constant dense<0.000000e+00> : vector<1024x325xf32>
    %dot_general3A_108 = tpu.matmul %reshape3A_106, %get3A_1, %dot_general3A_107 {dimension_numbers = #tpu.dot_dimension_numbers<[1], [0], [0], [1], [0, 0, 1, 1], [], []>, transpose_lhs_hint = false} : vector<1024x325xbf16>, vector<325x325xbf16>, vector<1024x325xf32> -> vector<1024x325xf32>
    %reshape3A_109 = vector.shape_cast %dot_general3A_108 : vector<1024x325xf32> to vector<16x64x325xf32>
    %convert_element_type3A_110 = arith.truncf %reshape3A_109 : vector<16x64x325xf32> to vector<16x64x325xbf16>
    %reshape3A_111 = vector.shape_cast %convert_element_type3A_110 : vector<16x64x325xbf16> to vector<1024x325xbf16>
    %dot_general3A_112 = arith.constant dense<0.000000e+00> : vector<1024x325xf32>
    %dot_general3A_113 = tpu.matmul %reshape3A_111, %get3A_1, %dot_general3A_112 {dimension_numbers = #tpu.dot_dimension_numbers<[1], [0], [0], [1], [0, 0, 1, 1], [], []>, transpose_lhs_hint = false} : vector<1024x325xbf16>, vector<325x325xbf16>, vector<1024x325xf32> -> vector<1024x325xf32>
    %reshape3A_114 = vector.shape_cast %dot_general3A_113 : vector<1024x325xf32> to vector<16x64x325xf32>
    %get3A_115 = arith.constant 0 : index
    %get3A_116 = arith.constant 0 : index
    %get3A_117 = arith.constant 0 : index
    %get3A_118 = vector.load %arg7[%get3A_115, %get3A_116, %get3A_117] : memref<3x64x64xbf16, #tpu.memory_space<vmem>>, vector<1x64x64xbf16>
    %get3A_119 = vector.shape_cast %get3A_118 : vector<1x64x64xbf16> to vector<64x64xbf16>
    %broadcast_in_dim3A_120 = vector.shape_cast %get3A_119 : vector<64x64xbf16> to vector<1x64x64xbf16>
    %broadcast_in_dim3A_121 = vector.shape_cast %broadcast_in_dim3A_120 : vector<1x64x64xbf16> to vector<1x64x64xbf16>
    %broadcast_in_dim3A_122 = vector.broadcast %broadcast_in_dim3A_121 : vector<1x64x64xbf16> to vector<16x64x64xbf16>
    %dot_general3A_123 = arith.constant dense<0.000000e+00> : vector<16x64x325xf32>
    %dot_general3A_124 = tpu.matmul %broadcast_in_dim3A_122, %convert_element_type3A_105, %dot_general3A_123 {dimension_numbers = #tpu.dot_dimension_numbers<[1], [1], [2], [2], [0, 0, 0, 2, 1, 2], [0], [0]>, transpose_lhs_hint = false} : vector<16x64x64xbf16>, vector<16x64x325xbf16>, vector<16x64x325xf32> -> vector<16x64x325xf32>
    %get3A_125 = arith.constant 1 : index
    %get3A_126 = arith.constant 0 : index
    %get3A_127 = arith.constant 0 : index
    %get3A_128 = vector.load %arg7[%get3A_125, %get3A_126, %get3A_127] : memref<3x64x64xbf16, #tpu.memory_space<vmem>>, vector<1x64x64xbf16>
    %get3A_129 = vector.shape_cast %get3A_128 : vector<1x64x64xbf16> to vector<64x64xbf16>
    %broadcast_in_dim3A_130 = vector.shape_cast %get3A_129 : vector<64x64xbf16> to vector<1x64x64xbf16>
    %broadcast_in_dim3A_131 = vector.shape_cast %broadcast_in_dim3A_130 : vector<1x64x64xbf16> to vector<1x64x64xbf16>
    %broadcast_in_dim3A_132 = vector.broadcast %broadcast_in_dim3A_131 : vector<1x64x64xbf16> to vector<16x64x64xbf16>
    %convert_element_type3A_133 = arith.truncf %reshape3A_109 : vector<16x64x325xf32> to vector<16x64x325xbf16>
    %dot_general3A_134 = arith.constant dense<0.000000e+00> : vector<16x64x325xf32>
    %dot_general3A_135 = tpu.matmul %broadcast_in_dim3A_132, %convert_element_type3A_133, %dot_general3A_134 {dimension_numbers = #tpu.dot_dimension_numbers<[1], [1], [2], [2], [0, 0, 0, 2, 1, 2], [0], [0]>, transpose_lhs_hint = false} : vector<16x64x64xbf16>, vector<16x64x325xbf16>, vector<16x64x325xf32> -> vector<16x64x325xf32>
    %add3A_136 = arith.addf %dot_general3A_124, %dot_general3A_135 : vector<16x64x325xf32>
    %get3A_137 = arith.constant 2 : index
    %get3A_138 = arith.constant 0 : index
    %get3A_139 = arith.constant 0 : index
    %get3A_140 = vector.load %arg7[%get3A_137, %get3A_138, %get3A_139] : memref<3x64x64xbf16, #tpu.memory_space<vmem>>, vector<1x64x64xbf16>
    %get3A_141 = vector.shape_cast %get3A_140 : vector<1x64x64xbf16> to vector<64x64xbf16>
    %broadcast_in_dim3A_142 = vector.shape_cast %get3A_141 : vector<64x64xbf16> to vector<1x64x64xbf16>
    %broadcast_in_dim3A_143 = vector.shape_cast %broadcast_in_dim3A_142 : vector<1x64x64xbf16> to vector<1x64x64xbf16>
    %broadcast_in_dim3A_144 = vector.broadcast %broadcast_in_dim3A_143 : vector<1x64x64xbf16> to vector<16x64x64xbf16>
    %convert_element_type3A_145 = arith.truncf %reshape3A_114 : vector<16x64x325xf32> to vector<16x64x325xbf16>
    %dot_general3A_146 = arith.constant dense<0.000000e+00> : vector<16x64x325xf32>
    %dot_general3A_147 = tpu.matmul %broadcast_in_dim3A_144, %convert_element_type3A_145, %dot_general3A_146 {dimension_numbers = #tpu.dot_dimension_numbers<[1], [1], [2], [2], [0, 0, 0, 2, 1, 2], [0], [0]>, transpose_lhs_hint = false} : vector<16x64x64xbf16>, vector<16x64x325xbf16>, vector<16x64x325xf32> -> vector<16x64x325xf32>
    %add3A_148 = arith.addf %add3A_136, %dot_general3A_147 : vector<16x64x325xf32>
    %get3A_149 = arith.constant 0 : index
    %get3A_150 = arith.constant 0 : index
    %get3A_151 = arith.constant 0 : index
    %get3A_152 = vector.load %arg8[%get3A_149, %get3A_150, %get3A_151] : memref<3x2x64xbf16, #tpu.memory_space<vmem>>, vector<1x2x64xbf16>
    %get3A_153 = vector.shape_cast %get3A_152 : vector<1x2x64xbf16> to vector<2x64xbf16>
    %broadcast_in_dim3A_154 = vector.shape_cast %get3A_153 : vector<2x64xbf16> to vector<1x2x64xbf16>
    %broadcast_in_dim3A_155 = vector.shape_cast %broadcast_in_dim3A_154 : vector<1x2x64xbf16> to vector<1x2x64xbf16>
    %broadcast_in_dim3A_156 = vector.broadcast %broadcast_in_dim3A_155 : vector<1x2x64xbf16> to vector<16x2x64xbf16>
    %dot_general3A_157 = arith.constant dense<0.000000e+00> : vector<16x64x325xf32>
    %dot_general3A_158 = tpu.matmul %broadcast_in_dim3A_156, %get3A_9, %dot_general3A_157 {dimension_numbers = #tpu.dot_dimension_numbers<[1], [1], [2], [2], [0, 0, 0, 2, 1, 2], [0], [0]>, transpose_lhs_hint = false} : vector<16x2x64xbf16>, vector<16x2x325xbf16>, vector<16x64x325xf32> -> vector<16x64x325xf32>
    %add3A_159 = arith.addf %add3A_148, %dot_general3A_158 : vector<16x64x325xf32>
    %get3A_160 = arith.constant 1 : index
    %get3A_161 = arith.constant 0 : index
    %get3A_162 = arith.constant 0 : index
    %get3A_163 = vector.load %arg8[%get3A_160, %get3A_161, %get3A_162] : memref<3x2x64xbf16, #tpu.memory_space<vmem>>, vector<1x2x64xbf16>
    %get3A_164 = vector.shape_cast %get3A_163 : vector<1x2x64xbf16> to vector<2x64xbf16>
    %broadcast_in_dim3A_165 = vector.shape_cast %get3A_164 : vector<2x64xbf16> to vector<1x2x64xbf16>
    %broadcast_in_dim3A_166 = vector.shape_cast %broadcast_in_dim3A_165 : vector<1x2x64xbf16> to vector<1x2x64xbf16>
    %broadcast_in_dim3A_167 = vector.broadcast %broadcast_in_dim3A_166 : vector<1x2x64xbf16> to vector<16x2x64xbf16>
    %dot_general3A_168 = arith.constant dense<0.000000e+00> : vector<16x64x325xf32>
    %dot_general3A_169 = tpu.matmul %broadcast_in_dim3A_167, %convert_element_type3A_16, %dot_general3A_168 {dimension_numbers = #tpu.dot_dimension_numbers<[1], [1], [2], [2], [0, 0, 0, 2, 1, 2], [0], [0]>, transpose_lhs_hint = false} : vector<16x2x64xbf16>, vector<16x2x325xbf16>, vector<16x64x325xf32> -> vector<16x64x325xf32>
    %add3A_170 = arith.addf %add3A_159, %dot_general3A_169 : vector<16x64x325xf32>
    %get3A_171 = arith.constant 2 : index
    %get3A_172 = arith.constant 0 : index
    %get3A_173 = arith.constant 0 : index
    %get3A_174 = vector.load %arg8[%get3A_171, %get3A_172, %get3A_173] : memref<3x2x64xbf16, #tpu.memory_space<vmem>>, vector<1x2x64xbf16>
    %get3A_175 = vector.shape_cast %get3A_174 : vector<1x2x64xbf16> to vector<2x64xbf16>
    %broadcast_in_dim3A_176 = vector.shape_cast %get3A_175 : vector<2x64xbf16> to vector<1x2x64xbf16>
    %broadcast_in_dim3A_177 = vector.shape_cast %broadcast_in_dim3A_176 : vector<1x2x64xbf16> to vector<1x2x64xbf16>
    %broadcast_in_dim3A_178 = vector.broadcast %broadcast_in_dim3A_177 : vector<1x2x64xbf16> to vector<16x2x64xbf16>
    %dot_general3A_179 = arith.constant dense<0.000000e+00> : vector<16x64x325xf32>
    %dot_general3A_180 = tpu.matmul %broadcast_in_dim3A_178, %convert_element_type3A_17, %dot_general3A_179 {dimension_numbers = #tpu.dot_dimension_numbers<[1], [1], [2], [2], [0, 0, 0, 2, 1, 2], [0], [0]>, transpose_lhs_hint = false} : vector<16x2x64xbf16>, vector<16x2x325xbf16>, vector<16x64x325xf32> -> vector<16x64x325xf32>
    %add3A_181 = arith.addf %add3A_170, %dot_general3A_180 : vector<16x64x325xf32>
    %get3A_182 = arith.constant 0 : index
    %get3A_183 = arith.constant 0 : index
    %get3A_184 = arith.constant 0 : index
    %get3A_185 = vector.load %arg9[%get3A_182, %get3A_183, %get3A_184] : memref<1x64x1xf32, #tpu.memory_space<vmem>>, vector<1x64x1xf32>
    %add3A_186 = vector.broadcast %get3A_185 : vector<1x64x1xf32> to vector<16x64x325xf32>
    %add3A_187 = arith.addf %add3A_181, %add3A_186 : vector<16x64x325xf32>
    %tanh3A = math.tanh %add3A_187 : vector<16x64x325xf32>
    %convert_element_type3A_188 = arith.extf %get3A_5 : vector<16x64x325xbf16> to vector<16x64x325xf32>
    %mul3A_189 = arith.mulf %slice3A_103, %convert_element_type3A_188 : vector<16x64x325xf32>
    %sub3A = arith.constant 1.000000e+00 : f32
    %sub3A_190 = vector.broadcast %sub3A : f32 to vector<16x64x325xf32>
    %sub3A_191 = arith.subf %sub3A_190, %slice3A_103 : vector<16x64x325xf32>
    %mul3A_192 = arith.mulf %sub3A_191, %tanh3A : vector<16x64x325xf32>
    %add3A_193 = arith.addf %mul3A_189, %mul3A_192 : vector<16x64x325xf32>
    %swap3A = arith.constant 0 : index
    %swap3A_194 = arith.constant 0 : index
    %swap3A_195 = arith.constant 0 : index
    %swap3A_196 = vector.load %arg10[%swap3A, %swap3A_194, %swap3A_195] : memref<16x64x325xf32, #tpu.memory_space<vmem>>, vector<16x64x325xf32>
    tpu.vector_store %arg10[%swap3A, %swap3A_194, %swap3A_195], %add3A_193 {strides = array<i32>} : memref<16x64x325xf32, #tpu.memory_space<vmem>>, vector<16x64x325xf32>,
    return
  }
  func.func @transform_0(%arg0: i32) -> (i32, i32, i32) {
    %c0_i32 = arith.constant 0 : i32
    %c0_i32_0 = arith.constant 0 : i32
    %c0_i32_1 = arith.constant 0 : i32
    return %arg0, %c0_i32, %c0_i32_0 : i32, i32, i32
  }
  func.func @transform_1(%arg0: i32) -> (i32, i32, i32) {
    %c0_i32 = arith.constant 0 : i32
    %c0_i32_0 = arith.constant 0 : i32
    %c0_i32_1 = arith.constant 0 : i32
    return %arg0, %c0_i32, %c0_i32_0 : i32, i32, i32
  }
  func.func @transform_2(%arg0: i32) -> (i32, i32) {
    %c0_i32 = arith.constant 0 : i32
    %c0_i32_0 = arith.constant 0 : i32
    %c0_i32_1 = arith.constant 0 : i32
    return %c0_i32, %c0_i32_0 : i32, i32
  }
  func.func @transform_3(%arg0: i32) -> (i32, i32, i32) {
    %c0_i32 = arith.constant 0 : i32
    %c0_i32_0 = arith.constant 0 : i32
    %c0_i32_1 = arith.constant 0 : i32
    %c0_i32_2 = arith.constant 0 : i32
    return %c0_i32, %c0_i32_0, %c0_i32_1 : i32, i32, i32
  }
  func.func @transform_4(%arg0: i32) -> (i32, i32, i32) {
    %c0_i32 = arith.constant 0 : i32
    %c0_i32_0 = arith.constant 0 : i32
    %c0_i32_1 = arith.constant 0 : i32
    %c0_i32_2 = arith.constant 0 : i32
    return %c0_i32, %c0_i32_0, %c0_i32_1 : i32, i32, i32
  }
  func.func @transform_5(%arg0: i32) -> (i32, i32, i32) {
    %c0_i32 = arith.constant 0 : i32
    %c0_i32_0 = arith.constant 0 : i32
    %c0_i32_1 = arith.constant 0 : i32
    %c0_i32_2 = arith.constant 0 : i32
    return %c0_i32, %c0_i32_0, %c0_i32_1 : i32, i32, i32
  }
  func.func @transform_6(%arg0: i32) -> (i32, i32, i32) {
    %c0_i32 = arith.constant 0 : i32
    %c0_i32_0 = arith.constant 0 : i32
    %c0_i32_1 = arith.constant 0 : i32
    %c0_i32_2 = arith.constant 0 : i32
    return %c0_i32, %c0_i32_0, %c0_i32_1 : i32, i32, i32
  }
  func.func @transform_7(%arg0: i32) -> (i32, i32, i32) {
    %c0_i32 = arith.constant 0 : i32
    %c0_i32_0 = arith.constant 0 : i32
    %c0_i32_1 = arith.constant 0 : i32
    %c0_i32_2 = arith.constant 0 : i32
    return %c0_i32, %c0_i32_0, %c0_i32_1 : i32, i32, i32
  }
  func.func @transform_8(%arg0: i32) -> (i32, i32, i32) {
    %c0_i32 = arith.constant 0 : i32
    %c0_i32_0 = arith.constant 0 : i32
    %c0_i32_1 = arith.constant 0 : i32
    %c0_i32_2 = arith.constant 0 : i32
    return %c0_i32, %c0_i32_0, %c0_i32_1 : i32, i32, i32
  }
  func.func @transform_9(%arg0: i32) -> (i32, i32, i32) {
    %c0_i32 = arith.constant 0 : i32
    %c0_i32_0 = arith.constant 0 : i32
    %c0_i32_1 = arith.constant 0 : i32
    return %arg0, %c0_i32, %c0_i32_0 : i32, i32, i32
  }
}

</mosaic_0001>

<sc_bundles>
// kernel: sparse-core-data-format-call.1.cloned.1.call-start
scs
called_computation.1_lowered:
.L_overlay_start_0:
0x0: {  	s2 =	sld [smem:$0x3FD9]  }
0x1: {  	s3 =	sld [smem:$0x3FFE];
	_ =	sdelay $0x1  }
0x2: {  	s1 =	srdreg.scid  }
0x3: {  	s0 =	sand.u32 $0x1, s1  }
0x4: {  	s16 =	sshll.u32 s0, $0xA;
	s2 =	sadd.s32 s3, s2  }
0x5: {  	s2 =	sadd.s32 s2, s16  }
0x6: {  	[smem:$0x3FC1] =	sst s2  }
0x7: {  	_ = 	snop  }
0x8: {  	s2 =	sld [smem:$0x3FD0];
	_ =	sdelay $0x2  }
0x9: {  	s17 =	simm.s32 $0xA;
	s4 =	simm.s32 $0x10  }
0xa: {  	[smem:s4], [sflag:s17] =	dma.local [hbm:s2], $0x1  }
0xb: {  	_ =	swait.eq [sflag:s17], $0x1  }
0xc: {  	[sflag:s17] =	ssyncset.done $0x0  }
0xd: {  	s18 =	sld [smem:$0x10];
	[sflag:s17] =	ssyncadd.s32 $0xFFFFFFFF  }
0xe: {  	s19 =	sld [smem:$0x11];
	(tm) =	ssettm $0x1  }
0xf: {  	s20 =	sld [smem:$0x3FFB];
	_ =	sdelay $0x3  }
0x10: {  	_ =	strace s20  }
0x11: {  	s4 =	sld [smem:$0x3FFC];
	_ =	sdelay $0x3  }
0x12: {  	_ =	strace s4  }
0x13: {  	s4 =	sld [smem:$0x3FFD];
	_ =	sdelay $0x3  }
0x14: {  	_ =	strace s4  }
0x15: {  	_ =	strace $0x8FFFFFFF  }
0x16: {  	s21 =	sld [smem:$0x3FDB];
	_ =	sdelay $0x1  }
0x17: {  	s5 =	simm.s32 $_scs_section_size  }
0x18: {  	s6 =	simm.s32 $_size__tile_overlayer_lowered;
	s7 =	simm.s32 $_tile_overlayer_lowered  }
0x19: {  	s24 =	simm.s32 $0x1BFF;
	s23 =	sshll.u32 s7, $0x1;
	s4 =	sadd.s32 s5, s21  }
0x1a: {  	s8 =	simm.s32 $0x0;
	s22 =	sshll.u32 s6, $0x1;
	s6 =	sadd.s32 s23, s4  }
0x1b: {  	[timem:s8], [sflag:s24] =	dma.local [hbm:s6], s22  }
0x1c: {  	_ =	swait.ge [sflag:s24], s22  }
0x1d: {  	s5 =	ssub.s32 $0x0, s22;
	[sflag:s24] =	ssyncset.done $0x0  }
0x1e: {  	[sflag:s24] =	ssyncadd.s32 s5;
	_ =	sdelay $0x1  }
0x1f: {  	s25 =	simm.s32 $0x1B8B  }
0x20: {  	_ =	swait.ge [sflag:s25], $0x1  }
0x21: {  	[sflag:s25] =	ssyncset.done $0x0  }
0x22: {  	s26 =	simm.s32 $0x1B8E;
	[sflag:s25] =	ssyncadd.s32 $0xFFFFFFFF  }
0x23: {  	s27 =	simm.s32 $execute0_lowered;
	[smem:$0x3FD2] =	sst s26  }
0x24: {  	s5 =	sshll.u32 s27, $0x1;
	_ =	strace $0x80000046;
	[dreg:$0x1] =	wrdreg $0xFFFFFFFF  }
0x25: {  	s28 =	simm.s32 $_size_execute0_lowered;
	s4 =	sadd.s32 s4, s5;
	[dreg:$0x0] =	wrdreg $0x0  }
0x26: {  	s5 =	sshll.u32 s28, $0x1;
	[dreg:$0x2] =	wrdreg s4  }
0x27: {  	[dreg:$0x3] =	wrdreg s5  }
0x28: {  	[dreg:$0x4] =	wrdreg $0xC0  }
0x29: {  	_ =	task [dreg:s8], $0x5FFFF  }
0x2a: {  	[dreg:$0x1] =	wrdreg $0xFFFFFFFF  }
0x2b: {  	[dreg:$0x0] =	wrdreg $0x60  }
0x2c: {  	[dreg:$0x2] =	wrdreg s19  }
0x2d: {  	[dreg:$0x3] =	wrdreg s18  }
0x2e: {  	[dreg:$0x4] =	wrdreg $0x9  }
0x2f: {  	_ =	task.clear_ibuf [dreg:s8], $0x5FFFF;
	_ =	strace $0x90000046  }
0x30: {  	s29 =	simm.s32 $0x9;
	_ =	strace $0x80000048  }
0x31: {  	_ =	swait.ge [sflag:s29], $0x1  }
0x32: {  	[sflag:s29] =	ssyncadd.s32 $0xFFFFFFFF  }
0x33: {  	_ =	strace $0x90000048  }
0x34: {  	_ =	sfence  }
0x35: {  	s30 =	sld [smem:$0x0];
	_ =	sdelay $0x2  }
0x36: {  	s31 =	sshll.u32 s1, $0xD;
	s1 =	sshrl.u32 s1, $0x2  }
0x37: {  	s3 =	sand.u32 $0x4000, s31;
	s1 =	sadd.s32 s1, s30  }
0x38: {  	s0 =	sor.u32 s3, s0;
	s1 =	sshll.u32 s1, $0x11  }
0x39: {  	s0 =	sor.u32 s1, s0  }
0x3a: {  	s0 =	sadd.s32 $0x8F2B, s0  }
0x3b: {  	[sflag:s0] =	ssyncadd.remote.s32 $0x1  }
0x3c: {  	_ =	sfence.sel $0xFFFF  }
0x3d: {  	[dreg:$0x0] =	wrdreg $0xFFFFFFFF;
	(pc) =	sbr.abs _section_cstart, $3  }
0x3e: {  	[dreg:$0x1] =	wrdreg $0xFFFFFFFF  }
0x3f: {  	_ =	task.clear_ibuf [dreg:s8], $0x2FFFF;
	_ =	strace $0x9FFFFFFF  }
0x40: {  	(tm) =	ssettm $0x7FFFFFFF  }
0x41: {  	_ =	shalt  }
tec
execute0_lowered:
.L_overlay_start_1:
0x0: {  	(tag) =	ssettag $0x1  }
0x1: {  	s0 =	srdreg.scid  }
0x2: {  	s1 =	sshll.u32 s0, $0x4  }
0x3: {  	s0 =	stileid.u32;
	s1 =	sand.u32 $0x10, s1  }
0x4: {  	s3 =	rddreg [dreg:$0x0];
	s1 =	sor.u32 s0, s1  }
0x5: {  	s4 =	rddreg [dreg:$0x1];
	s6 =	simm.s32 $0x1;
	s2 =	sshll.u32 s1, $0x1  }
0x6: {  	s31 =	simm.s32 $0x2;
	s13 =	simm.s32 $0x0;
	s5 =	ssub.s32 $0x40, s2  }
0x7: {  	s8 =	simm.s32 $0x3000;
	s14 =	simm.s32 $0x0;
	s30 =	sand.u32 $0x3E, s5  }
0x8: {  	s15 =	simm.s32 $0x0;
	s9 =	simm.s32 $0x0;
	p0 =	sne.s32 s30, $0x0  }
.Ltmp0:
0x9: {  	s7 =	sshrl.u32 s5, $0x6;
	s6 =	simm.s32 @!p0 $0x0;
	(pc) =	sbr.rel .LBB1_1-.Ltmp0, $4  }
0xa: {  	s11 =	simm.s32 $0x0;
	s1 =	rddreg [dreg:$0x2];
	s6 =	sadd.s32 s6, s7  }
0xb: {  	_ =	strace $0x80000047;
	s5 =	simm.s32 $0x1;
	s6 =	smul.u32 $0x18, s6  }
0xc: {  	s12 =	simm.s32 $0x0;
	s10 =	smov.u32 s2;
	[sflag:s5] =	ssyncpa.u1 $0x0  }
0xd: {  	[sflag:s31] =	ssyncpa.u1 $0x0;
	p0 =	por $0x0, $0x0;
	s7 =	sor.u32 $0x1, s6  }
.LBB1_4:
0xe: {  	s21 =	sshrl.u32 s14, $0x3  }
0xf: {  	s22 =	sshll.u32 s15, $0x3;
	s21 =	smul.u32 $0xC00, s21  }
0x10: {  	s23 =	sshll.u32 s14, $0x7;
	s22 =	sand.u32 $0xFFFFFC00, s22  }
0x11: {  	s27 =	sshll.u32 s15, $0x1;
	s26 =	sand.u32 $0x300, s23;
	s21 =	sadd.s32 s22, s21  }
0x12: {  	v5 =	vld [tilespmem:s19+$0xFFFFFFD0];
	[tilespmem:s18+$0x2040 ss:$0x81] =	vst.msk $0xffff, v4;
	s15 =	sand.u32 $0xFE, s27;
	s21 =	sor.u32 s26, s21  }
0x13: {  	v58 =	vld [tilespmem:s19+$0xFFFFFFE0];
	[tilespmem:s18+$0x2850 ss:$0x81] =	vst.msk $0xffff, v3;
	s28 =	sand.u32 $0x1, s14;
	s15 =	sor.u32 s15, s21  }
0x14: {  	s20 =	sshra.s32 s20, $0x2;
	v59 =	vld [tilespmem:s19+$0xFFFFFFF0];
	[tilespmem:s18+$0x3060 ss:$0x81] =	vst.msk $0xffff, v2;
	s14 =	sor.u32 s28, s15  }
0x15: {  	v60 =	vld [tilespmem:s19+$0x0];
	[tilespmem:s18+$0x0 ss:$0x81] =	vst.msk $0xffff, v0;
	s17 =	sadd.s32 s20, s17;
	s29 =	smulhi.u32 $0xAAAAAAAB, s14  }
0x16: {  	v61 =	vld [tilespmem:s19+$0x10];
	[tilespmem:s17+$0x3870 ss:$0x81] =	vst.msk $0xffff, v1;
	s15 =	smulhi.u32 $0xAAAAAAAB, s15  }
0x17: {  	v62 =	vld [tilespmem:s19+$0x20];
	[tilespmem:s17+$0x810 ss:$0x81] =	vst.msk $0xffff, v5;
	s18 =	sshrl.u32 s29, $0x8  }
0x18: {  	v63 =	vld [tilespmem:s19+$0xFFFFFFC0];
	[tilespmem:s17+$0x1020 ss:$0x81] =	vst.msk $0xffff, v58;
	s15 =	sshrl.u32 s15, $0x8;
	s18 =	smul.u32 $0x180, s18  }
0x19: {  	s13 =	smul.u32 $0x600, s13;
	[tilespmem:s17+$0x1830 ss:$0x81] =	vst.msk $0xffff, v59;
	s15 =	sand.u32 $0x3F, s15  }
0x1a: {  	[tilespmem:s17+$0x2040 ss:$0x81] =	vst.msk $0xffff, v60;
	s15 =	smul.u32 $0x18, s15;
	s14 =	ssub.s32 s14, s18  }
0x1b: {  	s13 =	sadd.s32 s4, s13;
	[tilespmem:s17+$0x2850 ss:$0x81] =	vst.msk $0xffff, v61;
	s18 =	sshll.u32 s14, $0x11  }
0x1c: {  	[tilespmem:s17+$0x3060 ss:$0x81] =	vst.msk $0xffff, v62;
	s13 =	sadd.s32 s15, s13;
	s14 =	sshrl.u32 s14, $0x4;
	s30 =	sand.u32 $0x1C0000, s18  }
0x1d: {  	[tilespmem:s17+$0x0 ss:$0x81] =	vst.msk $0xffff, v63;
	s13 =	sadd.s32 s14, s13;
	s31 =	sor.u32 $0x80, s30  }
0x1e: {  	[hbm4b:s13+s31] =	stream.strided.scatter [tilespmem:s16], [sflag:$0x2], $0x4000, s8, s31, $0x20;
	[tilespmem:$0x10100] =	vst v63  }
.LBB1_5:
0x1f: {  	s16 =	sadd.s32 $0x80, s9  }
0x20: {  	s13 =	sadd.s32 $0x40, s10;
	s17 =	smov.u32 s10;
	p2 =	sgt.s32 s16, $0x3FF  }
0x21: {  	s17 =	smov.u32 @p2 s13  }
0x22: {  	s19 =	smov.u32 s11;
	s13 =	sadd.s32 $0x80, s11;
	p3 =	sgt.s32 s17, $0x3F  }
0x23: {  	s19 =	smov.u32 @p3 s13  }
0x24: {  	s16 =	simm.s32 @p2 $0x0;
	p2 =	sgt.s32 s19, $0x144  }
0x25: {  	p1 =	slt.u32 s12, $0x2;
	s19 =	simm.s32 @p2 $0x0;
	p2 =	sne.s32 s12, s7  }
.Ltmp1:
0x26: {  	s18 =	simm.s32 @!p1 $0x2;
	(pc) =	sbr.rel @!p2 .LBB1_6-.Ltmp1, $4  }
0x27: {  	s14 =	smov.u32 s10;
	s15 =	smov.u32 s11;
	_ =	swait.ge @!p1 [sflag:s18], $0x4000  }
0x28: {  	p0 =	por !p0, !p0;
	[sflag:s18] =	ssyncset.done @!p1 $0x0;
	s17 =	smov.u32 @p3 s2  }
0x29: {  	s13 =	smov.u32 s9;
	[sflag:s18] =	ssyncadd.s32 @!p1 $0xFFFFC000;
	s9 =	smov.u32 s16  }
0x2a: {  	s10 =	smov.u32 s17;
	s12 =	sadd.s32 $0x1, s12;
	s11 =	smov.u32 s19  }
.LBB1_1:
0x2b: {  	p1 =	sge.u32 s12, s6  }
0x2c: {  	p2 =	sgt.s32 @!p1 s11, $0xC5  }
0x2d: {  	s16 =	smov.u32 s11;
	s17 =	sshra.s32 @!p1 s11, $0x1F;
	p2 =	por !p2, p1  }
0x2e: {  	s17 =	sand.u32 @!p1 s17, s11;
	s16 =	simm.s32 @p2 $0xC5  }
0x2f: {  	s16 =	ssub.s32 @!p1 s16, s17  }
0x30: {  	s31 =	sadd.s32 $0xFFFFFFFF, s12;
	s18 =	sshll.u32 @!p1 s10, $0xA;
	s17 =	sadd.s32 @!p1 $0xFFFFFF3B, s16  }
0x31: {  	s19 =	sshra.s32 @!p1 s10, $0x1F;
	s20 =	sshra.s32 @!p1 s9, $0x1F;
	p2 =	sgt.s32 @!p1 s17, $0x7F  }
0x32: {  	s16 =	ssub.s32 @!p1 $0x145, s16;
	s17 =	sand.u32 @!p1 $0xE000, s18;
	p2 =	por !p2, p1  }
0x33: {  	s18 =	sshll.u32 @!p1 s9, $0x3;
	s16 =	simm.s32 @!p2 $0x0;
	p2 =	sgt.s32 @!p1 s10, $0x3E  }
0x34: {  	s17 =	sadd.s32 @!p1 s17, s18;
	s18 =	smov.u32 s10;
	p2 =	por !p2, p1  }
0x35: {  	s19 =	sand.u32 @!p1 s19, s10;
	s18 =	simm.s32 @p2 $0x3E;
	p2 =	sgt.s32 @!p1 s9, $0x380  }
0x36: {  	s18 =	ssub.s32 @!p1 s18, s19;
	p2 =	por !p2, p1;
	s19 =	smov.u32 s9  }
0x37: {  	s20 =	sand.u32 @!p1 s20, s9;
	s21 =	sadd.s32 @!p1 $0xFFFFFFC2, s18;
	s19 =	simm.s32 @p2 $0x380  }
0x38: {  	s17 =	sshrl.u32 @!p1 s17, $0x4;
	p2 =	sgt.s32 @!p1 s21, $0x1;
	s19 =	ssub.s32 @!p1 s19, s20  }
0x39: {  	s18 =	ssub.s32 @!p1 $0x40, s18;
	p2 =	por !p2, p1;
	s20 =	sadd.s32 @!p1 $0xFFFFFC80, s19  }
0x3a: {  	s17 =	sand.u32 @!p1 $0xFC0, s17;
	s18 =	simm.s32 @!p2 $0x0;
	p2 =	sgt.s32 @!p1 s20, $0x7F  }
0x3b: {  	s20 =	sshll.u32 @!p1 s10, $0x7;
	s16 =	smul.u32 @!p1 s16, s18;
	s18 =	ssub.s32 @!p1 $0x400, s19  }
0x3c: {  	p2 =	por !p2, p1;
	s19 =	sand.u32 @!p1 $0x300, s20;
	s20 =	sshll.u32 @!p1 s9, $0x1  }
0x3d: {  	s21 =	sxor.u32 @!p1 $0xFFFFFFFF, s12;
	s18 =	simm.s32 @!p2 $0x0;
	s20 =	sand.u32 @!p1 $0xF0, s20  }
0x3e: {  	s16 =	smul.u32 @!p1 s18, s16;
	s18 =	sor.u32 @!p1 s19, s20;
	s19 =	sshll.u32 @!p1 s11, $0xC  }
0x3f: {  	s20 =	simm.s32 @!p1 $0x8000;
	s18 =	sshrl.u32 @!p1 s18, $0x4;
	s19 =	sadd.s32 @!p1 s3, s19  }
0x40: {  	s16 =	sshrl.u32 @!p1 s16, $0x1;
	s18 =	sadd.s32 @!p1 s18, s19;
	s19 =	sand.u32 @!p1 $0x7, s9  }
0x41: {  	s17 =	sadd.s32 @!p1 s17, s18;
	s18 =	sshll.u32 @!p1 s21, $0xE;
	s19 =	sshll.u32 @!p1 s19, $0x12  }
0x42: {  	s16 =	sand.u32 @!p1 $0x3FFFFFFF, s16;
	s18 =	sand.u32 @!p1 $0x4000, s18;
	s19 =	sor.u32 @!p1 $0x80, s19  }
0x43: {  	[tilespmem:s18], [sflag:$0x1] =	stream.strided.gather @!p1 [hbm4b:s17+s19], s16, s20, s19, $0x38;
	[tilespmem:$0x10100] =	vst v63  }
0x44: {  	p1 =	sge.u32 s31, s6  }
.Ltmp2:
0x45: {  	_ = 	snop;
	(pc) =	sbr.rel @p1 .LBB1_5-.Ltmp2, $1  }
0x46: {  	_ =	sdelay $0x3  }
0x47: {  	p1 =	sgt.s32 s15, $0xC5;
	s16 =	smov.u32 s15;
	s17 =	sshra.s32 s15, $0x1F  }
0x48: {  	s16 =	simm.s32 @!p1 $0xC5;
	s17 =	sand.u32 s17, s15  }
0x49: {  	s16 =	ssub.s32 s16, s17  }
0x4a: {  	p2 =	sgt.s32 s14, $0x3E;
	s18 =	sshra.s32 s14, $0x1F;
	s17 =	sadd.s32 $0xFFFFFF3B, s16  }
0x4b: {  	s19 =	sshra.s32 s13, $0x1F;
	p1 =	sgt.s32 s17, $0x7F;
	s17 =	smov.u32 s14  }
0x4c: {  	s18 =	sand.u32 s18, s14;
	s19 =	sand.u32 s19, s13;
	s17 =	simm.s32 @!p2 $0x3E  }
0x4d: {  	p2 =	sgt.s32 s13, $0x380;
	s17 =	ssub.s32 s17, s18;
	s18 =	smov.u32 s13  }
0x4e: {  	s16 =	ssub.s32 $0x145, s16;
	s20 =	sadd.s32 $0xFFFFFFC2, s17;
	s18 =	simm.s32 @!p2 $0x380  }
0x4f: {  	s17 =	ssub.s32 $0x40, s17;
	p2 =	sgt.s32 s20, $0x1;
	s18 =	ssub.s32 s18, s19  }
0x50: {  	s16 =	simm.s32 @p1 $0x0;
	s17 =	simm.s32 @p2 $0x0;
	s19 =	sadd.s32 $0xFFFFFC80, s18  }
0x51: {  	s16 =	smul.u32 s16, s17;
	p1 =	sgt.s32 s19, $0x7F;
	s17 =	ssub.s32 $0x400, s18  }
0x52: {  	s17 =	simm.s32 @p1 $0x0  }
0x53: {  	s16 =	smul.u32 s17, s16;
	_ =	sdelay $0x1  }
0x54: {  	s16 =	sshrl.u32 s16, $0x1  }
0x55: {  	s17 =	simm.s32 $0x1;
	s16 =	sand.u32 $0x3FFFFFFF, s16  }
0x56: {  	s17 =	simm.s32 @!p0 $0x0;
	_ =	swait.ge [sflag:s5], s16  }
0x57: {  	s28 =	sshll.u32 s17, $0xE;
	s16 =	ssub.s32 $0x0, s16;
	[sflag:s5] =	ssyncset.done $0x0  }
0x58: {  	s29 =	sor.u32 $0x40, s28;
	[sflag:s5] =	ssyncadd.s32 s16  }
0x59: {  	s30 =	smul.u32 $0x10200, s17;
	v0 =	vld [tilespmem:s29+$0x30]  }
0x5a: {  	v1 =	vld [tilespmem:s29+$0xFFFFFFD0]  }
0x5b: {  	s16 =	sshrl.u32 s30, $0x2;
	v5 =	vld [tilespmem:s29+$0xFFFFFFE0]  }
0x5c: {  	s17 =	sor.u32 $0x8000, s16;
	v6 =	vld [tilespmem:s29+$0xFFFFFFF0]  }
0x5d: {  	s31 =	sand.u32 $0x1, s12;
	v4 =	vld [tilespmem:s29+$0x0];
	s18 =	sadd.s32 $0x0, s17  }
0x5e: {  	s16 =	smul.u32 $0x10200, s31;
	v3 =	vld [tilespmem:s29+$0x10];
	[tilespmem:s18+$0x3870 ss:$0x81] =	vst.msk $0xffff, v0  }
0x5f: {  	v2 =	vld [tilespmem:s29+$0x20];
	[tilespmem:s18+$0x810 ss:$0x81] =	vst.msk $0xffff, v1  }
0x60: {  	s19 =	sadd.s32 $0x80, s29;
	s16 =	sshrl.u32 s16, $0x2;
	v0 =	vld [tilespmem:s29+$0xFFFFFFC0];
	[tilespmem:s18+$0x1020 ss:$0x81] =	vst.msk $0xffff, v5  }
0x61: {  	s21 =	simm.s32 $0x8;
	s20 =	simm.s32 $0x4;
	s16 =	sor.u32 $0x8000, s16;
	v1 =	vld [tilespmem:s19+$0x30];
	[tilespmem:s18+$0x1830 ss:$0x81] =	vst.msk $0xffff, v6  }
.LBB1_3:
0x62: {  	p1 =	sne.s32 s21, $0x1FC;
	v5 =	vld [tilespmem:s19+$0xFFFFFFD0];
	[tilespmem:s18+$0x2040 ss:$0x81] =	vst.msk $0xffff, v4  }
0x63: {  	v6 =	vld [tilespmem:s19+$0xFFFFFFE0];
	[tilespmem:s18+$0x2850 ss:$0x81] =	vst.msk $0xffff, v3  }
0x64: {  	s22 =	sshra.s32 s20, $0x2;
	s20 =	smov.u32 s21;
	v7 =	vld [tilespmem:s19+$0xFFFFFFF0];
	[tilespmem:s18+$0x3060 ss:$0x81] =	vst.msk $0xffff, v2  }
.Ltmp3:
0x65: {  	v4 =	vld [tilespmem:s19+$0x0];
	[tilespmem:s18+$0x0 ss:$0x81] =	vst.msk $0xffff, v0;
	s18 =	sadd.s32 s22, s17;
	(pc) =	sbr.rel @p1 .LBB1_3-.Ltmp3, $4  }
0x66: {  	v3 =	vld [tilespmem:s19+$0x10];
	[tilespmem:s18+$0x3870 ss:$0x81] =	vst.msk $0xffff, v1  }
0x67: {  	[tilespmem:s18+$0x810 ss:$0x81] =	vst.msk $0xffff, v5;
	v2 =	vld [tilespmem:s19+$0x20]  }
0x68: {  	v0 =	vld [tilespmem:s19+$0xFFFFFFC0];
	[tilespmem:s18+$0x1020 ss:$0x81] =	vst.msk $0xffff, v6;
	s19 =	sadd.s32 $0x80, s19  }
0x69: {  	s21 =	sadd.s32 $0x4, s21;
	v1 =	vld [tilespmem:s19+$0x30];
	[tilespmem:s18+$0x1830 ss:$0x81] =	vst.msk $0xffff, v7  }
.Ltmp4:
0x6a: {  	_ = 	snop;
	(pc) =	sbr.rel .LBB1_4-.Ltmp4, $1  }
0x6b: {  	_ =	sdelay $0x3  }
.LBB1_6:
0x6c: {  	_ =	sfence.sel $0x180000  }
0x6d: {  	s2 =	simm.s32 $0x1;
	[bflag:$0x0] =	sbarrier.arrive $0xFFFF  }
0x6e: {  	s31 =	simm.s32 $0x2;
	[sflag:s2] =	ssyncpa.u1 $0x1  }
0x6f: {  	[sflag:s31] =	ssyncpa.u1 $0x1  }
0x70: {  	p0 =	sne.s32 s0, $0x0;
	_ =	strace $0x90000047  }
0x71: {  	s0 =	sadd.s32 @!p0 $0x100000, s1;
	[bflag:$0x2] =	sbarrier.arrive $0xFFFF  }
0x72: {  	[sflag:s0] =	ssyncadd.tile.s32 @!p0 $0x1;
	_ =	shalt  }
.Lfunc_end1:
_tile_overlayer_lowered:
.L_overlay_start_2:
0x73: {  	(tag) =	ssettag $0x2  }
0x74: {  	s0 =	rddreg [dreg:$0x0];
	s2 =	stileid.u32  }
0x75: {  	s1 =	rddreg [dreg:$0x1];
	p0 =	sne.s32 s2, $0x0  }
0x76: {  	s3 =	rddreg [dreg:$0x2];
	[bflag:$0x3] =	sbarrier.arrive $0xFFFF;
	s2 =	simm.s32 @!p0 $0x1C01  }
0x77: {  	[timem:s3], [sflag:s2] =	dma.local @!p0 [hbm:s0], s1  }
0x78: {  	s0 =	simm.s32 @!p0 $0x1  }
0x79: {  	_ =	swait.ge @!p0 [sflag:s0], s1  }
0x7a: {  	s1 =	ssub.s32 @!p0 $0x0, s1;
	[sflag:s0] =	ssyncset.done @!p0 $0x0  }
0x7b: {  	[sflag:s0] =	ssyncadd.s32 @!p0 s1  }
0x7c: {  	[bflag:$0x3] =	sbarrier.arrive $0xFFFF  }
0x7d: {  	_ =	shalt  }

// kernel: sparse-core-data-format-call.cloned.1.call-start
scs
called_computation_lowered:
.L_overlay_start_0:
0x0: {  	s2 =	sld [smem:$0x3FD9]  }
0x1: {  	s3 =	sld [smem:$0x3FFE];
	_ =	sdelay $0x1  }
0x2: {  	s1 =	srdreg.scid  }
0x3: {  	s0 =	sand.u32 $0x1, s1  }
0x4: {  	s15 =	sshll.u32 s0, $0xA;
	s2 =	sadd.s32 s3, s2  }
0x5: {  	s2 =	sadd.s32 s2, s15  }
0x6: {  	[smem:$0x3FC1] =	sst s2  }
0x7: {  	_ = 	snop  }
0x8: {  	s2 =	sld [smem:$0x3FD0];
	_ =	sdelay $0x2  }
0x9: {  	s16 =	simm.s32 $0xA;
	s4 =	simm.s32 $0x10  }
0xa: {  	[smem:s4], [sflag:s16] =	dma.local [hbm:s2], $0x1  }
0xb: {  	_ =	swait.eq [sflag:s16], $0x1  }
0xc: {  	[sflag:s16] =	ssyncset.done $0x0  }
0xd: {  	[sflag:s16] =	ssyncadd.s32 $0xFFFFFFFF  }
0xe: {  	s17 =	sld [smem:$0x10];
	(tm) =	ssettm $0x1  }
0xf: {  	s18 =	sld [smem:$0x3FFB];
	_ =	sdelay $0x3  }
0x10: {  	_ =	strace s18  }
0x11: {  	s3 =	sld [smem:$0x3FFC];
	_ =	sdelay $0x3  }
0x12: {  	_ =	strace s3  }
0x13: {  	s3 =	sld [smem:$0x3FFD];
	_ =	sdelay $0x3  }
0x14: {  	_ =	strace s3  }
0x15: {  	_ =	strace $0x8FFFFFFF  }
0x16: {  	s19 =	sld [smem:$0x3FDB];
	_ =	sdelay $0x1  }
0x17: {  	s20 =	simm.s32 $_scs_section_size  }
0x18: {  	s5 =	simm.s32 $_size__tile_overlayer_lowered;
	s6 =	simm.s32 $_tile_overlayer_lowered  }
0x19: {  	s23 =	simm.s32 $0x1BFF;
	s22 =	sshll.u32 s6, $0x1;
	s3 =	sadd.s32 s20, s19  }
0x1a: {  	s7 =	simm.s32 $0x0;
	s21 =	sshll.u32 s5, $0x1;
	s5 =	sadd.s32 s22, s3  }
0x1b: {  	[timem:s7], [sflag:s23] =	dma.local [hbm:s5], s21  }
0x1c: {  	_ =	swait.ge [sflag:s23], s21  }
0x1d: {  	s4 =	ssub.s32 $0x0, s21;
	[sflag:s23] =	ssyncset.done $0x0  }
0x1e: {  	[sflag:s23] =	ssyncadd.s32 s4;
	_ =	sdelay $0x1  }
0x1f: {  	s24 =	simm.s32 $0x1B8B  }
0x20: {  	_ =	swait.ge [sflag:s24], $0x1  }
0x21: {  	[sflag:s24] =	ssyncset.done $0x0  }
0x22: {  	s26 =	simm.s32 $0x1B8E;
	s25 =	sld [smem:$0x3FFE];
	[sflag:s24] =	ssyncadd.s32 $0xFFFFFFFF  }
0x23: {  	s27 =	simm.s32 $execute0_lowered;
	[smem:$0x3FD2] =	sst s26  }
0x24: {  	s5 =	sshll.u32 s27, $0x1;
	_ =	strace $0x80000049;
	[dreg:$0x1] =	wrdreg $0xFFFFFFFF  }
0x25: {  	s28 =	simm.s32 $_size_execute0_lowered;
	s3 =	sadd.s32 s3, s5;
	[dreg:$0x0] =	wrdreg $0x0  }
0x26: {  	s5 =	sshll.u32 s28, $0x1;
	[dreg:$0x2] =	wrdreg s3  }
0x27: {  	[dreg:$0x3] =	wrdreg s5  }
0x28: {  	[dreg:$0x4] =	wrdreg $0xC0  }
0x29: {  	_ =	task [dreg:s7], $0x5FFFF  }
0x2a: {  	[dreg:$0x1] =	wrdreg $0xFFFFFFFF  }
0x2b: {  	[dreg:$0x0] =	wrdreg $0x60  }
0x2c: {  	[dreg:$0x2] =	wrdreg s25  }
0x2d: {  	[dreg:$0x3] =	wrdreg s17  }
0x2e: {  	[dreg:$0x4] =	wrdreg $0x9  }
0x2f: {  	_ =	task.clear_ibuf [dreg:s7], $0x5FFFF;
	_ =	strace $0x90000049  }
0x30: {  	s29 =	simm.s32 $0x9;
	_ =	strace $0x8000004B  }
0x31: {  	_ =	swait.ge [sflag:s29], $0x1  }
0x32: {  	[sflag:s29] =	ssyncadd.s32 $0xFFFFFFFF  }
0x33: {  	_ =	strace $0x9000004B  }
0x34: {  	_ =	sfence  }
0x35: {  	s30 =	sld [smem:$0x0];
	_ =	sdelay $0x2  }
0x36: {  	s31 =	sshll.u32 s1, $0xD;
	s1 =	sshrl.u32 s1, $0x2  }
0x37: {  	s3 =	sand.u32 $0x4000, s31;
	s1 =	sadd.s32 s1, s30  }
0x38: {  	s0 =	sor.u32 s3, s0;
	s1 =	sshll.u32 s1, $0x11  }
0x39: {  	s0 =	sor.u32 s1, s0  }
0x3a: {  	s0 =	sadd.s32 $0x8F2B, s0  }
0x3b: {  	[sflag:s0] =	ssyncadd.remote.s32 $0x1  }
0x3c: {  	_ =	sfence.sel $0xFFFF  }
0x3d: {  	[dreg:$0x0] =	wrdreg $0xFFFFFFFF;
	(pc) =	sbr.abs _section_cstart, $3  }
0x3e: {  	[dreg:$0x1] =	wrdreg $0xFFFFFFFF  }
0x3f: {  	_ =	task.clear_ibuf [dreg:s7], $0x2FFFF;
	_ =	strace $0x9FFFFFFF  }
0x40: {  	(tm) =	ssettm $0x7FFFFFFF  }
0x41: {  	_ =	shalt  }
tec
execute0_lowered:
.L_overlay_start_1:
0x0: {  	(tag) =	ssettag $0x1  }
0x1: {  	s4 =	rddreg [dreg:$0x0]  }
0x2: {  	s0 =	stileid.u32;
	s2 =	rddreg [dreg:$0x1]  }
0x3: {  	s7 =	srdreg.scid;
	s8 =	simm.s32 $0x2;
	s17 =	simm.s32 $0x0  }
0x4: {  	s9 =	simm.s32 $0x10000;
	s19 =	simm.s32 $0x0;
	s18 =	simm.s32 $0x0  }
0x5: {  	s10 =	simm.s32 $0x0;
	s11 =	simm.s32 $0x0;
	s1 =	sshll.u32 s0, $0x7  }
0x6: {  	s12 =	simm.s32 $0x0;
	s13 =	simm.s32 $0x0;
	s3 =	sand.u32 $0x380, s1  }
0x7: {  	s16 =	simm.s32 $0x0;
	s7 =	sshll.u32 s7, $0x4;
	s5 =	ssub.s32 $0x400, s3  }
0x8: {  	s4 =	sadd.s32 $0x1C00, s4;
	s1 =	rddreg [dreg:$0x2];
	s6 =	sand.u32 $0x380, s5  }
0x9: {  	s7 =	sand.u32 $0x10, s7;
	p0 =	sne.s32 s6, $0x0;
	s6 =	simm.s32 $0x1  }
.Ltmp0:
0xa: {  	s5 =	sshrl.u32 s5, $0xA;
	s6 =	simm.s32 @!p0 $0x0;
	(pc) =	sbr.rel .LBB1_1-.Ltmp0, $4  }
0xb: {  	_ =	strace $0x8000004A;
	s7 =	sor.u32 s0, s7;
	s6 =	sadd.s32 s6, s5  }
0xc: {  	s7 =	sshrl.u32 s7, $0x3;
	s5 =	simm.s32 $0x1;
	s6 =	smul.u32 $0x30, s6  }
0xd: {  	s15 =	smov.u32 s3;
	s14 =	smov.u32 s7;
	[sflag:s5] =	ssyncpa.u1 $0x0  }
0xe: {  	p0 =	por $0x0, $0x0;
	[sflag:s8] =	ssyncpa.u1 $0x0;
	s8 =	sor.u32 $0x1, s6  }
.LBB1_4:
0xf: {  	s24 =	sshra.s32 s24, $0x2;
	p1 =	sgt.s32 s10, $0xC5;
	s25 =	smov.u32 s11  }
0x10: {  	s26 =	sshra.s32 s11, $0x1F;
	s27 =	sand.u32 $0x78, s12;
	s28 =	sshra.s32 s12, $0x1F  }
0x11: {  	s31 =	sshra.s32 s10, $0x1F;
	s23 =	sadd.s32 s24, s23;
	s24 =	smov.u32 s10  }
0x12: {  	s30 =	sshll.u32 s11, $0xA;
	s24 =	simm.s32 @!p1 $0xC5;
	p1 =	sgt.s32 s11, $0x3F  }
0x13: {  	s26 =	sand.u32 s26, s11;
	s28 =	sand.u32 s28, s12;
	s25 =	simm.s32 @!p1 $0x3F  }
0x14: {  	v5 =	vld [tilespmem:s21+$0xFFFFFFD0];
	p1 =	sgt.s32 s12, $0x380;
	s25 =	ssub.s32 s25, s26;
	s26 =	smov.u32 s12  }
0x15: {  	[tilespmem:s22+$0x2040 ss:$0x81] =	vst.msk $0xffff, v4;
	v58 =	vld [tilespmem:s21+$0xFFFFFFE0];
	s29 =	sadd.s32 $0xFFFFFFC1, s25;
	s26 =	simm.s32 @!p1 $0x380;
	s25 =	ssub.s32 $0x40, s25  }
0x16: {  	[tilespmem:s22+$0x2850 ss:$0x81] =	vst.msk $0xffff, v3;
	v59 =	vld [tilespmem:s21+$0xFFFFFFF0];
	p1 =	sgt.s32 s29, $0x0;
	s26 =	ssub.s32 s26, s28;
	s29 =	sand.u32 s31, s10  }
0x17: {  	[tilespmem:s22+$0x3060 ss:$0x81] =	vst.msk $0xffff, v2;
	v60 =	vld [tilespmem:s21+$0x0];
	s28 =	sand.u32 $0xE000, s30;
	s30 =	sshll.u32 s12, $0x3;
	s24 =	ssub.s32 s24, s29  }
0x18: {  	[tilespmem:s22+$0x0 ss:$0x81] =	vst.msk $0xffff, v1;
	v61 =	vld [tilespmem:s21+$0x10];
	s25 =	simm.s32 @p1 $0x0;
	s31 =	sadd.s32 $0xFFFFFC80, s26;
	s26 =	ssub.s32 $0x400, s26  }
0x19: {  	v62 =	vld [tilespmem:s21+$0x20];
	[tilespmem:s23+$0x3870 ss:$0x81] =	vst.msk $0xffff, v0;
	s22 =	sand.u32 $0xFC00, s30;
	p1 =	sgt.s32 s31, $0x7F;
	s29 =	sadd.s32 $0xFFFFFF3B, s24  }
0x1a: {  	v63 =	vld [tilespmem:s21+$0xFFFFFFC0];
	[tilespmem:s23+$0x810 ss:$0x81] =	vst.msk $0xffff, v5;
	s31 =	sshll.u32 s11, $0x7;
	s24 =	ssub.s32 $0x145, s24;
	s21 =	sadd.s32 s22, s28  }
0x1b: {  	[tilespmem:s23+$0x1020 ss:$0x81] =	vst.msk $0xffff, v58;
	s28 =	sand.u32 $0x7, s12;
	s26 =	simm.s32 @p1 $0x0;
	p1 =	sgt.s32 s29, $0x7F  }
0x1c: {  	[tilespmem:s23+$0x1830 ss:$0x81] =	vst.msk $0xffff, v59;
	s21 =	sshrl.u32 s21, $0x3;
	s25 =	smul.u32 s26, s25;
	s26 =	sand.u32 $0x380, s31  }
0x1d: {  	[tilespmem:s23+$0x2040 ss:$0x81] =	vst.msk $0xffff, v60;
	s24 =	simm.s32 @p1 $0x0;
	s22 =	sor.u32 s27, s26;
	s27 =	sshll.u32 s10, $0xD  }
0x1e: {  	[tilespmem:s23+$0x2850 ss:$0x81] =	vst.msk $0xffff, v61;
	s24 =	smul.u32 s24, s25;
	s22 =	sshrl.u32 s22, $0x3;
	s25 =	sadd.s32 s2, s27  }
0x1f: {  	[tilespmem:s23+$0x3060 ss:$0x81] =	vst.msk $0xffff, v62;
	s29 =	sshll.u32 s28, $0x12;
	s21 =	sand.u32 $0x1F80, s21;
	s22 =	sadd.s32 s22, s25  }
0x20: {  	[tilespmem:s23+$0x0 ss:$0x81] =	vst.msk $0xffff, v63;
	s31 =	sor.u32 $0x80, s29;
	s30 =	sand.u32 $0x3FFFFFFF, s24;
	s21 =	sadd.s32 s21, s22  }
0x21: {  	[hbm4b:s21+s31] =	stream.strided.scatter [tilespmem:s20], [sflag:$0x2], s30, s9, s31, $0x20;
	[tilespmem:$0x10100] =	vst v63  }
.LBB1_5:
0x22: {  	p1 =	slt.u32 s16, $0x2;
	s21 =	smov.u32 s19  }
0x23: {  	p2 =	sgt.s32 @!p1 s17, $0xC5;
	s20 =	sshra.s32 @!p1 s17, $0x1F;
	p3 =	sgt.s32 @!p1 s19, $0x3F  }
0x24: {  	s22 =	sshra.s32 @!p1 s19, $0x1F;
	p2 =	por !p2, p1;
	s20 =	sand.u32 @!p1 s20, s17  }
0x25: {  	p3 =	por !p3, p1;
	s19 =	sand.u32 @!p1 s22, s19;
	s22 =	sshra.s32 @!p1 s18, $0x1F  }
0x26: {  	s21 =	simm.s32 @p3 $0x3F;
	p3 =	sgt.s32 @!p1 s18, $0x380;
	s17 =	simm.s32 @p2 $0xC5  }
0x27: {  	s19 =	ssub.s32 @!p1 s21, s19;
	p3 =	por !p3, p1;
	s21 =	smov.u32 s18  }
0x28: {  	s18 =	sand.u32 @!p1 s22, s18;
	s17 =	ssub.s32 @!p1 s17, s20;
	s21 =	simm.s32 @p3 $0x380  }
0x29: {  	s20 =	sadd.s32 @!p1 $0xFFFFFFC1, s19;
	s19 =	ssub.s32 @!p1 $0x40, s19;
	s18 =	ssub.s32 @!p1 s21, s18  }
0x2a: {  	s21 =	sadd.s32 @!p1 $0xFFFFFF3B, s17;
	p2 =	sgt.s32 @!p1 s20, $0x0;
	s20 =	sadd.s32 @!p1 $0xFFFFFC80, s18  }
0x2b: {  	s17 =	ssub.s32 @!p1 $0x145, s17;
	p2 =	por !p2, p1;
	p3 =	sgt.s32 @!p1 s20, $0x7F  }
0x2c: {  	s18 =	ssub.s32 @!p1 $0x400, s18;
	s19 =	simm.s32 @!p2 $0x0;
	p2 =	por !p3, p1  }
0x2d: {  	s20 =	sadd.s32 $0x80, s13;
	p3 =	sgt.s32 @!p1 s21, $0x7F;
	s18 =	simm.s32 @!p2 $0x0  }
0x2e: {  	s21 =	smov.u32 s14;
	p2 =	por !p3, p1;
	s18 =	smul.u32 @!p1 s18, s19  }
0x2f: {  	s17 =	simm.s32 @!p2 $0x0;
	p2 =	sgt.s32 s20, $0x144;
	s19 =	sadd.s32 $0x4, s14  }
0x30: {  	s22 =	smov.u32 s15;
	s21 =	smov.u32 @p2 s19  }
0x31: {  	s17 =	smul.u32 @!p1 s17, s18;
	p3 =	sgt.s32 s21, $0x3F;
	s18 =	sadd.s32 $0x400, s15  }
0x32: {  	p0 =	por !p0, !p0;
	s23 =	simm.s32 @!p1 $0x2;
	s22 =	smov.u32 @p3 s18  }
0x33: {  	s20 =	simm.s32 @p2 $0x0;
	s19 =	smov.u32 s11;
	p2 =	sgt.s32 s22, $0x3FF  }
0x34: {  	s11 =	smov.u32 s14;
	s22 =	smov.u32 @p2 s3;
	p2 =	sne.s32 s16, s8  }
.Ltmp1:
0x35: {  	s21 =	smov.u32 @p3 s7;
	s18 =	smov.u32 s12;
	(pc) =	sbr.rel @!p2 .LBB1_6-.Ltmp1, $4  }
0x36: {  	s12 =	smov.u32 s15;
	s17 =	sand.u32 @!p1 $0x3FFFFFFF, s17;
	s14 =	smov.u32 s21  }
0x37: {  	_ =	swait.ge @!p1 [sflag:s23], s17;
	s24 =	ssub.s32 @!p1 $0x0, s17;
	s17 =	smov.u32 s10  }
0x38: {  	s16 =	sadd.s32 $0x1, s16;
	s10 =	smov.u32 s13;
	[sflag:s23] =	ssyncset.done @!p1 $0x0  }
0x39: {  	s13 =	smov.u32 s20;
	s15 =	smov.u32 s22;
	[sflag:s23] =	ssyncadd.s32 @!p1 s24  }
.LBB1_1:
0x3a: {  	p1 =	sge.u32 s16, s6  }
0x3b: {  	s20 =	sshrl.u32 @!p1 s14, $0x3  }
0x3c: {  	s21 =	sshll.u32 @!p1 s13, $0x3;
	s20 =	smul.u32 @!p1 $0xC00, s20  }
0x3d: {  	s22 =	sshll.u32 @!p1 s14, $0x7;
	s21 =	sand.u32 @!p1 $0xFFFFFC00, s21  }
0x3e: {  	s20 =	sadd.s32 @!p1 s20, s21;
	s21 =	sand.u32 @!p1 $0x380, s22  }
0x3f: {  	s22 =	sand.u32 @!p1 $0x7F, s13;
	s20 =	sor.u32 @!p1 s21, s20  }
0x40: {  	s21 =	sor.u32 @!p1 s22, s20  }
0x41: {  	s22 =	smulhi.u32 @!p1 $0xAAAAAAAB, s21  }
0x42: {  	s20 =	smulhi.u32 @!p1 $0xAAAAAAAB, s20  }
0x43: {  	s22 =	sshrl.u32 @!p1 s22, $0x8  }
0x44: {  	s31 =	sadd.s32 $0xFFFFFFFF, s16;
	s20 =	sshrl.u32 @!p1 s20, $0x8;
	s22 =	smul.u32 @!p1 $0x180, s22  }
0x45: {  	s23 =	sxor.u32 @!p1 $0xFFFFFFFF, s16;
	s24 =	smul.u32 @!p1 $0xC00, s15;
	s20 =	sand.u32 @!p1 $0x3F, s20  }
0x46: {  	s23 =	sshll.u32 @!p1 s23, $0xE;
	s20 =	smul.u32 @!p1 $0x30, s20;
	s21 =	ssub.s32 @!p1 s21, s22  }
0x47: {  	s22 =	sand.u32 @!p1 $0x4000, s23;
	s23 =	sadd.s32 @!p1 s4, s24;
	s24 =	sand.u32 @!p1 $0x7, s21  }
0x48: {  	s21 =	sshrl.u32 @!p1 s21, $0x3;
	s20 =	sadd.s32 @!p1 s20, s23;
	s23 =	sshll.u32 @!p1 s24, $0x12  }
0x49: {  	s20 =	sadd.s32 @!p1 s21, s20;
	s21 =	sor.u32 @!p1 $0x80, s23;
	s23 =	simm.s32 @!p1 $0x6000  }
0x4a: {  	[tilespmem:s22], [sflag:$0x1] =	stream.strided.gather @!p1 [hbm4b:s20+s21], $0x4000, s23, s21, $0x38;
	[tilespmem:$0x10100] =	vst v63  }
0x4b: {  	p1 =	sge.u32 s31, s6  }
.Ltmp2:
0x4c: {  	_ = 	snop;
	(pc) =	sbr.rel @p1 .LBB1_5-.Ltmp2, $1  }
0x4d: {  	_ =	sdelay $0x3  }
0x4e: {  	s20 =	simm.s32 $0x1  }
0x4f: {  	_ =	swait.ge [sflag:s5], $0x4000;
	s20 =	simm.s32 @!p0 $0x0  }
0x50: {  	[sflag:s5] =	ssyncset.done $0x0;
	s21 =	sshll.u32 s20, $0xE  }
0x51: {  	[sflag:s5] =	ssyncadd.s32 $0xFFFFC000;
	s21 =	sor.u32 $0x40, s21  }
0x52: {  	s20 =	smul.u32 $0x10200, s20;
	v0 =	vld [tilespmem:s21+$0x30]  }
0x53: {  	v1 =	vld [tilespmem:s21+$0xFFFFFFD0]  }
0x54: {  	s20 =	sshrl.u32 s20, $0x2;
	v5 =	vld [tilespmem:s21+$0xFFFFFFE0]  }
0x55: {  	v6 =	vld [tilespmem:s21+$0xFFFFFFF0];
	s23 =	sor.u32 $0x8000, s20  }
0x56: {  	s31 =	sand.u32 $0x1, s16;
	v4 =	vld [tilespmem:s21+$0x0];
	s22 =	sadd.s32 $0x0, s23  }
0x57: {  	v3 =	vld [tilespmem:s21+$0x10];
	s20 =	smul.u32 $0x10200, s31;
	[tilespmem:s22+$0x3870 ss:$0x81] =	vst.msk $0xffff, v0  }
0x58: {  	v2 =	vld [tilespmem:s21+$0x20];
	[tilespmem:s22+$0x810 ss:$0x81] =	vst.msk $0xffff, v1  }
0x59: {  	s20 =	sshrl.u32 s20, $0x2;
	v1 =	vld [tilespmem:s21+$0xFFFFFFC0];
	[tilespmem:s22+$0x1020 ss:$0x81] =	vst.msk $0xffff, v5;
	s21 =	sadd.s32 $0x80, s21  }
0x5a: {  	s24 =	simm.s32 $0x4;
	s25 =	simm.s32 $0x8;
	s20 =	sor.u32 $0x8000, s20;
	[tilespmem:s22+$0x1830 ss:$0x81] =	vst.msk $0xffff, v6;
	v0 =	vld [tilespmem:s21+$0x30]  }
.LBB1_3:
0x5b: {  	p1 =	sne.s32 s25, $0x1FC;
	v5 =	vld [tilespmem:s21+$0xFFFFFFD0];
	[tilespmem:s22+$0x2040 ss:$0x81] =	vst.msk $0xffff, v4  }
0x5c: {  	v6 =	vld [tilespmem:s21+$0xFFFFFFE0];
	[tilespmem:s22+$0x2850 ss:$0x81] =	vst.msk $0xffff, v3  }
0x5d: {  	s26 =	sshra.s32 s24, $0x2;
	s24 =	smov.u32 s25;
	v7 =	vld [tilespmem:s21+$0xFFFFFFF0];
	[tilespmem:s22+$0x3060 ss:$0x81] =	vst.msk $0xffff, v2  }
.Ltmp3:
0x5e: {  	v4 =	vld [tilespmem:s21+$0x0];
	[tilespmem:s22+$0x0 ss:$0x81] =	vst.msk $0xffff, v1;
	s22 =	sadd.s32 s26, s23;
	(pc) =	sbr.rel @p1 .LBB1_3-.Ltmp3, $4  }
0x5f: {  	v3 =	vld [tilespmem:s21+$0x10];
	[tilespmem:s22+$0x3870 ss:$0x81] =	vst.msk $0xffff, v0  }
0x60: {  	[tilespmem:s22+$0x810 ss:$0x81] =	vst.msk $0xffff, v5;
	v2 =	vld [tilespmem:s21+$0x20]  }
0x61: {  	v1 =	vld [tilespmem:s21+$0xFFFFFFC0];
	[tilespmem:s22+$0x1020 ss:$0x81] =	vst.msk $0xffff, v6;
	s21 =	sadd.s32 $0x80, s21  }
0x62: {  	s25 =	sadd.s32 $0x4, s25;
	v0 =	vld [tilespmem:s21+$0x30];
	[tilespmem:s22+$0x1830 ss:$0x81] =	vst.msk $0xffff, v7  }
.Ltmp4:
0x63: {  	_ = 	snop;
	(pc) =	sbr.rel .LBB1_4-.Ltmp4, $1  }
0x64: {  	_ =	sdelay $0x3  }
.LBB1_6:
0x65: {  	_ =	sfence.sel $0x180000  }
0x66: {  	s2 =	simm.s32 $0x1;
	[bflag:$0x0] =	sbarrier.arrive $0xFFFF  }
0x67: {  	s31 =	simm.s32 $0x2;
	[sflag:s2] =	ssyncpa.u1 $0x1  }
0x68: {  	[sflag:s31] =	ssyncpa.u1 $0x1  }
0x69: {  	p0 =	sne.s32 s0, $0x0;
	_ =	strace $0x9000004A  }
0x6a: {  	s0 =	sadd.s32 @!p0 $0x100000, s1;
	[bflag:$0x2] =	sbarrier.arrive $0xFFFF  }
0x6b: {  	[sflag:s0] =	ssyncadd.tile.s32 @!p0 $0x1;
	_ =	shalt  }
.Lfunc_end1:
_tile_overlayer_lowered:
.L_overlay_start_2:
0x6c: {  	(tag) =	ssettag $0x2  }
0x6d: {  	s0 =	rddreg [dreg:$0x0];
	s2 =	stileid.u32  }
0x6e: {  	s1 =	rddreg [dreg:$0x1];
	p0 =	sne.s32 s2, $0x0  }
0x6f: {  	s3 =	rddreg [dreg:$0x2];
	[bflag:$0x3] =	sbarrier.arrive $0xFFFF;
	s2 =	simm.s32 @!p0 $0x1C01  }
0x70: {  	[timem:s3], [sflag:s2] =	dma.local @!p0 [hbm:s0], s1  }
0x71: {  	s0 =	simm.s32 @!p0 $0x1  }
0x72: {  	_ =	swait.ge @!p0 [sflag:s0], s1  }
0x73: {  	s1 =	ssub.s32 @!p0 $0x0, s1;
	[sflag:s0] =	ssyncset.done @!p0 $0x0  }
0x74: {  	[sflag:s0] =	ssyncadd.s32 @!p0 s1  }
0x75: {  	[bflag:$0x3] =	sbarrier.arrive $0xFFFF  }
0x76: {  	_ =	shalt  }

</sc_bundles>
